<compile_context>
chip_gen: v7x
topology: tpu7x:2x2x1
jax: 0.10.2.dev20260603
libtpu: 0.0.44.dev20260713+nightly
codegen_flags: <defaults>
</compile_context>

<pallas_src>
import functools

import jax
import jax.numpy as jnp
from jax import lax
from jax.experimental import pallas as pl
from jax.experimental.pallas import tpu as pltpu
from jax.experimental.pallas import tpu_sc as plsc

_B, _S = 16, 20
_FD, _RD = 32, 32
_NF, _NR = 100000, 200
_Q = _B * _S
_QPAD = 512
_IDX_PER_W = _QPAD // 32
_CHUNK = 10000


def _sc_gather_body(table_hbm, idx_hbm, out_hbm, idx_v, rows_v, sem):
    wid = lax.axis_index("s") * 2 + lax.axis_index("c")
    base = wid * _IDX_PER_W
    pltpu.sync_copy(idx_hbm.at[pl.ds(base, _IDX_PER_W)], idx_v)
    pltpu.async_copy(table_hbm.at[idx_v], rows_v, sem).wait()
    pltpu.sync_copy(rows_v, out_hbm.at[pl.ds(base, _IDX_PER_W)])


def _sc_gather(role_table, idx_flat):
    mesh = plsc.VectorSubcoreMesh(core_axis_name="c", subcore_axis_name="s")
    f = pl.kernel(
        _sc_gather_body,
        out_type=jax.ShapeDtypeStruct((_QPAD, _RD), jnp.float32),
        mesh=mesh,
        scratch_types=[
            pltpu.VMEM((_IDX_PER_W,), jnp.int32),
            pltpu.VMEM((_IDX_PER_W, _RD), jnp.float32),
            pltpu.SemaphoreType.DMA,
        ],
        compiler_params=pltpu.CompilerParams(use_tc_tiling_on_sc=False),
    )
    return f(role_table, idx_flat)


def _tc_body(emb_ref, h_ref, filler_ref, out_ref, fg_ref, bestv_ref, besti_ref):
    k = pl.program_id(0)

    @pl.when(k == 0)
    def _init():
        for b in range(_B):
            e_b = emb_ref[pl.ds(_S * b, _S), :]
            h_b = h_ref[b]
            fgp = lax.dot_general(
                e_b, h_b, (((1,), (1,)), ((), ())),
                preferred_element_type=jnp.float32,
                precision=lax.Precision.DEFAULT,
            )
            fg_ref[pl.ds(_S * b, _S), :] = -2.0 * fgp
        bestv_ref[...] = jnp.full((1, _Q), jnp.inf, jnp.float32)
        besti_ref[...] = jnp.zeros((1, _Q), jnp.float32)

    blk = filler_ref[...]
    d = lax.dot_general(
        blk, fg_ref[...], (((1,), (1,)), ((), ())),
        preferred_element_type=jnp.float32,
        precision=lax.Precision.DEFAULT,
    )
    fn = jnp.sum(blk * blk, axis=1, keepdims=True)
    sc = d + fn
    m = jnp.min(sc, axis=0, keepdims=True)
    idx = jnp.argmin(sc, axis=0).astype(jnp.float32)[None, :]
    idx = idx + jnp.float32(k * _CHUNK)
    better = m < bestv_ref[...]
    besti_ref[...] = jnp.where(better, idx, besti_ref[...])
    bestv_ref[...] = jnp.where(better, m, bestv_ref[...])

    @pl.when(k == pl.num_programs(0) - 1)
    def _fin():
        out_ref[...] = besti_ref[...].astype(jnp.int32)


def _tc_call(roles_emb, h, filler_table, interpret=False):
    grid = _NF // _CHUNK
    return pl.pallas_call(
        _tc_body,
        grid=(grid,),
        in_specs=[
            pl.BlockSpec((_Q, _RD), lambda k: (0, 0)),
            pl.BlockSpec((_B, _FD, _RD), lambda k: (0, 0, 0)),
            pl.BlockSpec((_CHUNK, _FD), lambda k: (k, 0)),
        ],
        out_specs=pl.BlockSpec((1, _Q), lambda k: (0, 0)),
        out_shape=jax.ShapeDtypeStruct((1, _Q), jnp.int32),
        scratch_shapes=[
            pltpu.VMEM((_Q, _RD), jnp.float32),
            pltpu.VMEM((1, _Q), jnp.float32),
            pltpu.VMEM((1, _Q), jnp.float32),
        ],
        interpret=interpret,
    )(roles_emb, h, filler_table)


@jax.jit
def kernel(roles, hidden, filler_table, role_table):
    idx_flat = jnp.pad(roles.reshape(-1).astype(jnp.int32), (0, _QPAD - _Q))
    roles_emb = _sc_gather(role_table, idx_flat)[:_Q]
    h = hidden.reshape(_B, _FD, _RD)
    preds = _tc_call(roles_emb, h, filler_table)
    return preds.reshape(_B, _S)

# --- scband reference (transcript-rebuilt; emitter-appended) ---
"""Pipeline reference for scband-tensor-product-decoder-28501402977088 (READ-ONLY COPY).

The authoritative reference and input builder live on the scoring server;
editing this copy changes nothing except your own understanding.
"""

import jax, jax.numpy as jnp
import numpy as np

B, S = 16, 20
FD, RD = 32, 32
NF, NR = 100000, 200


def setup_inputs(seed: int = 0) -> dict:
    key = jax.random.key(seed)
    k1, k2, k3, k4 = jax.random.split(key, 4)
    roles = jax.random.randint(k1, (B, S), 0, NR)
    hidden = jax.random.normal(k2, (1, B, FD * RD), dtype=jnp.float32)
    # learned parameters
    filler_table = jax.random.normal(k3, (NF, FD), dtype=jnp.float32)
    role_table = jax.random.normal(k4, (NR, RD), dtype=jnp.float32)
    role_table = role_table.at[0].set(0.0)  # nn.Embedding padding_idx=0
    return {"roles": roles, "hidden": hidden, "filler_table": filler_table, "role_table": role_table}


def reference(roles, hidden, filler_table, role_table):
    fd, rd = FD, RD
    # hidden.transpose(0,1).transpose(1,2).view(-1, fd, rd)
    h = jnp.transpose(hidden, (1, 2, 0)).reshape(-1, fd, rd)  # [B, fd, rd]
    roles_emb = jnp.take(role_table, roles, axis=0)  # [B, S, rd]
    # bmm(roles_emb, h.transpose(1,2)) -> [B, S, fd]
    filler_guess = jnp.matmul(roles_emb, jnp.transpose(h, (0, 2, 1)))
    shp = filler_guess.shape  # (B, S, fd)
    fg = filler_guess.reshape(-1, fd)  # [B*S, fd]
    # pairwise L2 distance to every filler embedding (same math as
    # (fg[:,None,:]-table[None,:,:]).pow(2).sum(-1).sqrt(), computed without
    # materializing the [B*S, NF, fd] broadcast tensor)
    d2 = (jnp.sum(fg * fg, axis=1)[:, None]
          + jnp.sum(filler_table * filler_table, axis=1)[None, :]
          - 2.0 * (fg @ filler_table.T))
    dists = jnp.sqrt(jnp.maximum(d2, 0.0)).reshape(shp[0], shp[1], -1)  # [B, S, NF]
    dists = -1.0 * jnp.transpose(dists, (1, 0, 2))  # [S, B, NF]
    log_probs = jax.nn.log_softmax(dists, axis=2)
    lp = jnp.transpose(log_probs, (1, 0, 2))  # [B, S, NF]
    topv, topi = jax.lax.top_k(lp, 1)
    preds = jnp.squeeze(topi, axis=2)  # [B, S] int32 predictions
    return preds

if __name__ == "__main__":
    import jax
    _d = setup_inputs()
    print(jax.jit(kernel)(*tuple(_d.values())))

</pallas_src>

<mosaic_0001>
#map = affine_map<(d0, d1) -> (0, 0)>
#map1 = affine_map<(d0, d1) -> (0)>
module attributes {stable_mosaic.version = 14 : i64} {
  func.func @_sc_gather_body(%arg0: i32, %arg1: i32, %arg2: memref<200x32xf32, #tpu.memory_space<hbm>>, %arg3: memref<512xi32, #tpu.memory_space<hbm>>, %arg4: memref<512x32xf32, #tpu.memory_space<hbm>>, %arg5: memref<16xi32, #tpu.memory_space<vmem>>, %arg6: memref<16x32xf32, #tpu.memory_space<vmem>>, %arg7: memref<!tpu.dma_semaphore, #tpu.memory_space<semaphore_mem>>) attributes {dimension_semantics = [#tpu.dimension_semantics<core_parallel>, #tpu.dimension_semantics<subcore_parallel>], iteration_bounds = array<i64: 2, 16>, scalar_prefetch = 0 : i64, scratch_operands = 3 : i64, tpu.core_type = #tpu.core_type<sc_vector_subcore>, window_params = [{transform_indices = #map}, {transform_indices = #map1}, {transform_indices = #map}]} {
    %mul3A = arith.constant 2 : i32
    %mul3A_0 = arith.muli %arg1, %mul3A : i32
    %add3A = arith.addi %mul3A_0, %arg0 : i32
    %mul3A_1 = arith.constant 16 : i32
    %mul3A_2 = arith.muli %add3A, %mul3A_1 : i32
    "tpu.region"() ({
      %run_scoped3A = tpu.sem_alloc : memref<!tpu.dma_semaphore, #tpu.memory_space<semaphore_mem>>
      %dma_start3A_7 = tpu.memref_slice %arg3[%mul3A_2] : memref<512xi32, #tpu.memory_space<hbm>> -> memref<16xi32, #tpu.memory_space<hbm>>
      %dma_start3A_8 = tpu.memref_slice %arg3[%mul3A_2] : memref<512xi32, #tpu.memory_space<hbm>> -> memref<16xi32, #tpu.memory_space<hbm>>
      tpu.enqueue_dma source(%dma_start3A_8 : memref<16xi32, #tpu.memory_space<hbm>>) target(%arg5 : memref<16xi32, #tpu.memory_space<vmem>>) target_semaphore(%run_scoped3A : memref<!tpu.dma_semaphore, #tpu.memory_space<semaphore_mem>>)
      %dma_wait3A_9 = tpu.memref_slice %arg3[%mul3A_2] : memref<512xi32, #tpu.memory_space<hbm>> -> memref<16xi32, #tpu.memory_space<hbm>>
      %dma_wait3A_10 = tpu.memref_slice %arg3[%mul3A_2] : memref<512xi32, #tpu.memory_space<hbm>> -> memref<16xi32, #tpu.memory_space<hbm>>
      tpu.wait_dma2 semaphore(%run_scoped3A : memref<!tpu.dma_semaphore, #tpu.memory_space<semaphore_mem>>) src(%dma_wait3A_10 : memref<16xi32, #tpu.memory_space<hbm>>) dst(%arg5 : memref<16xi32, #tpu.memory_space<vmem>>)
      tpu.yield
    }) : () -> ()
    %dma_start3A = arith.constant 0 : i32
    %dma_start3A_3 = arith.constant 0 : i32
    %dma_start3A_4 = tpu.memref_slice %arg2[%dma_start3A, %dma_start3A_3] : memref<200x32xf32, #tpu.memory_space<hbm>> -> memref<200x32xf32, #tpu.memory_space<hbm>>
    tpu.enqueue_indirect_dma source(%dma_start3A_4 : memref<200x32xf32, #tpu.memory_space<hbm>>) target(%arg6 : memref<16x32xf32, #tpu.memory_space<vmem>>) offsets(%arg5 : memref<16xi32, #tpu.memory_space<vmem>>) semaphore(%arg7 : memref<!tpu.dma_semaphore, #tpu.memory_space<semaphore_mem>>)
    %dma_wait3A = arith.constant 0 : i32
    %dma_wait3A_5 = arith.constant 0 : i32
    %dma_wait3A_6 = tpu.memref_slice %arg2[%dma_wait3A, %dma_wait3A_5] : memref<200x32xf32, #tpu.memory_space<hbm>> -> memref<200x32xf32, #tpu.memory_space<hbm>>
    tpu.wait_indirect_dma semaphore(%arg7 : memref<!tpu.dma_semaphore, #tpu.memory_space<semaphore_mem>>) src(%dma_wait3A_6 : memref<200x32xf32, #tpu.memory_space<hbm>>) dst(%arg6 : memref<16x32xf32, #tpu.memory_space<vmem>>)
    "tpu.region"() ({
      %run_scoped3A = tpu.sem_alloc : memref<!tpu.dma_semaphore, #tpu.memory_space<semaphore_mem>>
      %dma_start3A_7 = arith.constant 0 : i32
      %dma_start3A_8 = tpu.memref_slice %arg4[%mul3A_2, %dma_start3A_7] : memref<512x32xf32, #tpu.memory_space<hbm>> -> memref<16x32xf32, #tpu.memory_space<hbm>>
      %dma_start3A_9 = arith.constant 0 : i32
      %dma_start3A_10 = tpu.memref_slice %arg4[%mul3A_2, %dma_start3A_9] : memref<512x32xf32, #tpu.memory_space<hbm>> -> memref<16x32xf32, #tpu.memory_space<hbm>>
      tpu.enqueue_dma source(%arg6 : memref<16x32xf32, #tpu.memory_space<vmem>>) target(%dma_start3A_10 : memref<16x32xf32, #tpu.memory_space<hbm>>) target_semaphore(%run_scoped3A : memref<!tpu.dma_semaphore, #tpu.memory_space<semaphore_mem>>)
      %dma_wait3A_11 = arith.constant 0 : i32
      %dma_wait3A_12 = tpu.memref_slice %arg4[%mul3A_2, %dma_wait3A_11] : memref<512x32xf32, #tpu.memory_space<hbm>> -> memref<16x32xf32, #tpu.memory_space<hbm>>
      %dma_wait3A_13 = arith.constant 0 : i32
      %dma_wait3A_14 = tpu.memref_slice %arg4[%mul3A_2, %dma_wait3A_13] : memref<512x32xf32, #tpu.memory_space<hbm>> -> memref<16x32xf32, #tpu.memory_space<hbm>>
      tpu.wait_dma2 semaphore(%run_scoped3A : memref<!tpu.dma_semaphore, #tpu.memory_space<semaphore_mem>>) src(%arg6 : memref<16x32xf32, #tpu.memory_space<vmem>>) dst(%dma_wait3A_14 : memref<16x32xf32, #tpu.memory_space<hbm>>)
      tpu.yield
    }) : () -> ()
    return
  }
}

module attributes {stable_mosaic.version = 14 : i64} {
  func.func @_tc_body(%arg0: i32, %arg1: memref<320x32xf32, #tpu.memory_space<vmem>>, %arg2: memref<16x32x32xf32, #tpu.memory_space<vmem>>, %arg3: memref<10000x32xf32, #tpu.memory_space<vmem>>, %arg4: memref<1x320xi32, #tpu.memory_space<vmem>>, %arg5: memref<320x32xf32, #tpu.memory_space<vmem>>, %arg6: memref<1x320xf32, #tpu.memory_space<vmem>>, %arg7: memref<1x320xf32, #tpu.memory_space<vmem>>) attributes {dimension_semantics = [#tpu.dimension_semantics<arbitrary>], iteration_bounds = array<i64: 10>, scalar_prefetch = 0 : i64, scratch_operands = 3 : i64, tpu.core_type = #tpu.core_type<tc>, window_params = [{pipeline_mode = #tpu.pipeline_mode<synchronous>, transform_indices = @transform_0, window_bounds = array<i64: 320, 32>}, {pipeline_mode = #tpu.pipeline_mode<synchronous>, transform_indices = @transform_1, window_bounds = array<i64: 16, 32, 32>}, {transform_indices = @transform_2, window_bounds = array<i64: 10000, 32>}, {pipeline_mode = #tpu.pipeline_mode<synchronous>, transform_indices = @transform_3, window_bounds = array<i64: 1, 320>}]} {
    %eq3A = arith.constant 0 : i32
    %eq3A_0 = arith.cmpi eq, %arg0, %eq3A : i32
    %convert_element_type3A = arith.extui %eq3A_0 : i1 to i32
    %cond3A = arith.constant 0 : i32
    %cond3A_1 = arith.cmpi ne, %convert_element_type3A, %cond3A : i32
    scf.if %cond3A_1 {
      %get3A_39 = arith.constant 0 : index
      %get3A_40 = arith.constant 0 : index
      %get3A_41 = vector.load %arg1[%get3A_39, %get3A_40] : memref<320x32xf32, #tpu.memory_space<vmem>>, vector<20x32xf32>
      %get3A_42 = arith.constant 0 : index
      %get3A_43 = arith.constant 0 : index
      %get3A_44 = arith.constant 0 : index
      %get3A_45 = vector.load %arg2[%get3A_42, %get3A_43, %get3A_44] : memref<16x32x32xf32, #tpu.memory_space<vmem>>, vector<1x32x32xf32>
      %get3A_46 = vector.shape_cast %get3A_45 : vector<1x32x32xf32> to vector<32x32xf32>
      %dot_general3A_47 = arith.constant dense<0.000000e+00> : vector<20x32xf32>
      %dot_general3A_48 = tpu.matmul %get3A_41, %get3A_46, %dot_general3A_47 {dimension_numbers = #tpu.dot_dimension_numbers<[1], [1], [0], [0], [0, 0, 1, 0], [], []>, transpose_lhs_hint = false} : vector<20x32xf32>, vector<32x32xf32>, vector<20x32xf32> -> vector<20x32xf32>
      %mul3A_49 = arith.constant -2.000000e+00 : f32
      %mul3A_50 = vector.broadcast %mul3A_49 : f32 to vector<20x32xf32>
      %mul3A_51 = arith.mulf %mul3A_50, %dot_general3A_48 : vector<20x32xf32>
      %swap3A_52 = arith.constant 0 : index
      %swap3A_53 = arith.constant 0 : index
      %swap3A_54 = vector.load %arg5[%swap3A_52, %swap3A_53] : memref<320x32xf32, #tpu.memory_space<vmem>>, vector<20x32xf32>
      tpu.vector_store %arg5[%swap3A_52, %swap3A_53], %mul3A_51 {strides = array<i32>} : memref<320x32xf32, #tpu.memory_space<vmem>>, vector<20x32xf32>,
      %get3A_55 = arith.constant 20 : index
      %get3A_56 = arith.constant 0 : index
      %get3A_57 = vector.load %arg1[%get3A_55, %get3A_56] : memref<320x32xf32, #tpu.memory_space<vmem>>, vector<20x32xf32>
      %get3A_58 = arith.constant 1 : index
      %get3A_59 = arith.constant 0 : index
      %get3A_60 = arith.constant 0 : index
      %get3A_61 = vector.load %arg2[%get3A_58, %get3A_59, %get3A_60] : memref<16x32x32xf32, #tpu.memory_space<vmem>>, vector<1x32x32xf32>
      %get3A_62 = vector.shape_cast %get3A_61 : vector<1x32x32xf32> to vector<32x32xf32>
      %dot_general3A_63 = arith.constant dense<0.000000e+00> : vector<20x32xf32>
      %dot_general3A_64 = tpu.matmul %get3A_57, %get3A_62, %dot_general3A_63 {dimension_numbers = #tpu.dot_dimension_numbers<[1], [1], [0], [0], [0, 0, 1, 0], [], []>, transpose_lhs_hint = false} : vector<20x32xf32>, vector<32x32xf32>, vector<20x32xf32> -> vector<20x32xf32>
      %mul3A_65 = arith.constant -2.000000e+00 : f32
      %mul3A_66 = vector.broadcast %mul3A_65 : f32 to vector<20x32xf32>
      %mul3A_67 = arith.mulf %mul3A_66, %dot_general3A_64 : vector<20x32xf32>
      %swap3A_68 = arith.constant 20 : index
      %swap3A_69 = arith.constant 0 : index
      %swap3A_70 = vector.load %arg5[%swap3A_68, %swap3A_69] : memref<320x32xf32, #tpu.memory_space<vmem>>, vector<20x32xf32>
      tpu.vector_store %arg5[%swap3A_68, %swap3A_69], %mul3A_67 {strides = array<i32>} : memref<320x32xf32, #tpu.memory_space<vmem>>, vector<20x32xf32>,
      %get3A_71 = arith.constant 40 : index
      %get3A_72 = arith.constant 0 : index
      %get3A_73 = vector.load %arg1[%get3A_71, %get3A_72] : memref<320x32xf32, #tpu.memory_space<vmem>>, vector<20x32xf32>
      %get3A_74 = arith.constant 2 : index
      %get3A_75 = arith.constant 0 : index
      %get3A_76 = arith.constant 0 : index
      %get3A_77 = vector.load %arg2[%get3A_74, %get3A_75, %get3A_76] : memref<16x32x32xf32, #tpu.memory_space<vmem>>, vector<1x32x32xf32>
      %get3A_78 = vector.shape_cast %get3A_77 : vector<1x32x32xf32> to vector<32x32xf32>
      %dot_general3A_79 = arith.constant dense<0.000000e+00> : vector<20x32xf32>
      %dot_general3A_80 = tpu.matmul %get3A_73, %get3A_78, %dot_general3A_79 {dimension_numbers = #tpu.dot_dimension_numbers<[1], [1], [0], [0], [0, 0, 1, 0], [], []>, transpose_lhs_hint = false} : vector<20x32xf32>, vector<32x32xf32>, vector<20x32xf32> -> vector<20x32xf32>
      %mul3A_81 = arith.constant -2.000000e+00 : f32
      %mul3A_82 = vector.broadcast %mul3A_81 : f32 to vector<20x32xf32>
      %mul3A_83 = arith.mulf %mul3A_82, %dot_general3A_80 : vector<20x32xf32>
      %swap3A_84 = arith.constant 40 : index
      %swap3A_85 = arith.constant 0 : index
      %swap3A_86 = vector.load %arg5[%swap3A_84, %swap3A_85] : memref<320x32xf32, #tpu.memory_space<vmem>>, vector<20x32xf32>
      tpu.vector_store %arg5[%swap3A_84, %swap3A_85], %mul3A_83 {strides = array<i32>} : memref<320x32xf32, #tpu.memory_space<vmem>>, vector<20x32xf32>,
      %get3A_87 = arith.constant 60 : index
      %get3A_88 = arith.constant 0 : index
      %get3A_89 = vector.load %arg1[%get3A_87, %get3A_88] : memref<320x32xf32, #tpu.memory_space<vmem>>, vector<20x32xf32>
      %get3A_90 = arith.constant 3 : index
      %get3A_91 = arith.constant 0 : index
      %get3A_92 = arith.constant 0 : index
      %get3A_93 = vector.load %arg2[%get3A_90, %get3A_91, %get3A_92] : memref<16x32x32xf32, #tpu.memory_space<vmem>>, vector<1x32x32xf32>
      %get3A_94 = vector.shape_cast %get3A_93 : vector<1x32x32xf32> to vector<32x32xf32>
      %dot_general3A_95 = arith.constant dense<0.000000e+00> : vector<20x32xf32>
      %dot_general3A_96 = tpu.matmul %get3A_89, %get3A_94, %dot_general3A_95 {dimension_numbers = #tpu.dot_dimension_numbers<[1], [1], [0], [0], [0, 0, 1, 0], [], []>, transpose_lhs_hint = false} : vector<20x32xf32>, vector<32x32xf32>, vector<20x32xf32> -> vector<20x32xf32>
      %mul3A_97 = arith.constant -2.000000e+00 : f32
      %mul3A_98 = vector.broadcast %mul3A_97 : f32 to vector<20x32xf32>
      %mul3A_99 = arith.mulf %mul3A_98, %dot_general3A_96 : vector<20x32xf32>
      %swap3A_100 = arith.constant 60 : index
      %swap3A_101 = arith.constant 0 : index
      %swap3A_102 = vector.load %arg5[%swap3A_100, %swap3A_101] : memref<320x32xf32, #tpu.memory_space<vmem>>, vector<20x32xf32>
      tpu.vector_store %arg5[%swap3A_100, %swap3A_101], %mul3A_99 {strides = array<i32>} : memref<320x32xf32, #tpu.memory_space<vmem>>, vector<20x32xf32>,
      %get3A_103 = arith.constant 80 : index
      %get3A_104 = arith.constant 0 : index
      %get3A_105 = vector.load %arg1[%get3A_103, %get3A_104] : memref<320x32xf32, #tpu.memory_space<vmem>>, vector<20x32xf32>
      %get3A_106 = arith.constant 4 : index
      %get3A_107 = arith.constant 0 : index
      %get3A_108 = arith.constant 0 : index
      %get3A_109 = vector.load %arg2[%get3A_106, %get3A_107, %get3A_108] : memref<16x32x32xf32, #tpu.memory_space<vmem>>, vector<1x32x32xf32>
      %get3A_110 = vector.shape_cast %get3A_109 : vector<1x32x32xf32> to vector<32x32xf32>
      %dot_general3A_111 = arith.constant dense<0.000000e+00> : vector<20x32xf32>
      %dot_general3A_112 = tpu.matmul %get3A_105, %get3A_110, %dot_general3A_111 {dimension_numbers = #tpu.dot_dimension_numbers<[1], [1], [0], [0], [0, 0, 1, 0], [], []>, transpose_lhs_hint = false} : vector<20x32xf32>, vector<32x32xf32>, vector<20x32xf32> -> vector<20x32xf32>
      %mul3A_113 = arith.constant -2.000000e+00 : f32
      %mul3A_114 = vector.broadcast %mul3A_113 : f32 to vector<20x32xf32>
      %mul3A_115 = arith.mulf %mul3A_114, %dot_general3A_112 : vector<20x32xf32>
      %swap3A_116 = arith.constant 80 : index
      %swap3A_117 = arith.constant 0 : index
      %swap3A_118 = vector.load %arg5[%swap3A_116, %swap3A_117] : memref<320x32xf32, #tpu.memory_space<vmem>>, vector<20x32xf32>
      tpu.vector_store %arg5[%swap3A_116, %swap3A_117], %mul3A_115 {strides = array<i32>} : memref<320x32xf32, #tpu.memory_space<vmem>>, vector<20x32xf32>,
      %get3A_119 = arith.constant 100 : index
      %get3A_120 = arith.constant 0 : index
      %get3A_121 = vector.load %arg1[%get3A_119, %get3A_120] : memref<320x32xf32, #tpu.memory_space<vmem>>, vector<20x32xf32>
      %get3A_122 = arith.constant 5 : index
      %get3A_123 = arith.constant 0 : index
      %get3A_124 = arith.constant 0 : index
      %get3A_125 = vector.load %arg2[%get3A_122, %get3A_123, %get3A_124] : memref<16x32x32xf32, #tpu.memory_space<vmem>>, vector<1x32x32xf32>
      %get3A_126 = vector.shape_cast %get3A_125 : vector<1x32x32xf32> to vector<32x32xf32>
      %dot_general3A_127 = arith.constant dense<0.000000e+00> : vector<20x32xf32>
      %dot_general3A_128 = tpu.matmul %get3A_121, %get3A_126, %dot_general3A_127 {dimension_numbers = #tpu.dot_dimension_numbers<[1], [1], [0], [0], [0, 0, 1, 0], [], []>, transpose_lhs_hint = false} : vector<20x32xf32>, vector<32x32xf32>, vector<20x32xf32> -> vector<20x32xf32>
      %mul3A_129 = arith.constant -2.000000e+00 : f32
      %mul3A_130 = vector.broadcast %mul3A_129 : f32 to vector<20x32xf32>
      %mul3A_131 = arith.mulf %mul3A_130, %dot_general3A_128 : vector<20x32xf32>
      %swap3A_132 = arith.constant 100 : index
      %swap3A_133 = arith.constant 0 : index
      %swap3A_134 = vector.load %arg5[%swap3A_132, %swap3A_133] : memref<320x32xf32, #tpu.memory_space<vmem>>, vector<20x32xf32>
      tpu.vector_store %arg5[%swap3A_132, %swap3A_133], %mul3A_131 {strides = array<i32>} : memref<320x32xf32, #tpu.memory_space<vmem>>, vector<20x32xf32>,
      %get3A_135 = arith.constant 120 : index
      %get3A_136 = arith.constant 0 : index
      %get3A_137 = vector.load %arg1[%get3A_135, %get3A_136] : memref<320x32xf32, #tpu.memory_space<vmem>>, vector<20x32xf32>
      %get3A_138 = arith.constant 6 : index
      %get3A_139 = arith.constant 0 : index
      %get3A_140 = arith.constant 0 : index
      %get3A_141 = vector.load %arg2[%get3A_138, %get3A_139, %get3A_140] : memref<16x32x32xf32, #tpu.memory_space<vmem>>, vector<1x32x32xf32>
      %get3A_142 = vector.shape_cast %get3A_141 : vector<1x32x32xf32> to vector<32x32xf32>
      %dot_general3A_143 = arith.constant dense<0.000000e+00> : vector<20x32xf32>
      %dot_general3A_144 = tpu.matmul %get3A_137, %get3A_142, %dot_general3A_143 {dimension_numbers = #tpu.dot_dimension_numbers<[1], [1], [0], [0], [0, 0, 1, 0], [], []>, transpose_lhs_hint = false} : vector<20x32xf32>, vector<32x32xf32>, vector<20x32xf32> -> vector<20x32xf32>
      %mul3A_145 = arith.constant -2.000000e+00 : f32
      %mul3A_146 = vector.broadcast %mul3A_145 : f32 to vector<20x32xf32>
      %mul3A_147 = arith.mulf %mul3A_146, %dot_general3A_144 : vector<20x32xf32>
      %swap3A_148 = arith.constant 120 : index
      %swap3A_149 = arith.constant 0 : index
      %swap3A_150 = vector.load %arg5[%swap3A_148, %swap3A_149] : memref<320x32xf32, #tpu.memory_space<vmem>>, vector<20x32xf32>
      tpu.vector_store %arg5[%swap3A_148, %swap3A_149], %mul3A_147 {strides = array<i32>} : memref<320x32xf32, #tpu.memory_space<vmem>>, vector<20x32xf32>,
      %get3A_151 = arith.constant 140 : index
      %get3A_152 = arith.constant 0 : index
      %get3A_153 = vector.load %arg1[%get3A_151, %get3A_152] : memref<320x32xf32, #tpu.memory_space<vmem>>, vector<20x32xf32>
      %get3A_154 = arith.constant 7 : index
      %get3A_155 = arith.constant 0 : index
      %get3A_156 = arith.constant 0 : index
      %get3A_157 = vector.load %arg2[%get3A_154, %get3A_155, %get3A_156] : memref<16x32x32xf32, #tpu.memory_space<vmem>>, vector<1x32x32xf32>
      %get3A_158 = vector.shape_cast %get3A_157 : vector<1x32x32xf32> to vector<32x32xf32>
      %dot_general3A_159 = arith.constant dense<0.000000e+00> : vector<20x32xf32>
      %dot_general3A_160 = tpu.matmul %get3A_153, %get3A_158, %dot_general3A_159 {dimension_numbers = #tpu.dot_dimension_numbers<[1], [1], [0], [0], [0, 0, 1, 0], [], []>, transpose_lhs_hint = false} : vector<20x32xf32>, vector<32x32xf32>, vector<20x32xf32> -> vector<20x32xf32>
      %mul3A_161 = arith.constant -2.000000e+00 : f32
      %mul3A_162 = vector.broadcast %mul3A_161 : f32 to vector<20x32xf32>
      %mul3A_163 = arith.mulf %mul3A_162, %dot_general3A_160 : vector<20x32xf32>
      %swap3A_164 = arith.constant 140 : index
      %swap3A_165 = arith.constant 0 : index
      %swap3A_166 = vector.load %arg5[%swap3A_164, %swap3A_165] : memref<320x32xf32, #tpu.memory_space<vmem>>, vector<20x32xf32>
      tpu.vector_store %arg5[%swap3A_164, %swap3A_165], %mul3A_163 {strides = array<i32>} : memref<320x32xf32, #tpu.memory_space<vmem>>, vector<20x32xf32>,
      %get3A_167 = arith.constant 160 : index
      %get3A_168 = arith.constant 0 : index
      %get3A_169 = vector.load %arg1[%get3A_167, %get3A_168] : memref<320x32xf32, #tpu.memory_space<vmem>>, vector<20x32xf32>
      %get3A_170 = arith.constant 8 : index
      %get3A_171 = arith.constant 0 : index
      %get3A_172 = arith.constant 0 : index
      %get3A_173 = vector.load %arg2[%get3A_170, %get3A_171, %get3A_172] : memref<16x32x32xf32, #tpu.memory_space<vmem>>, vector<1x32x32xf32>
      %get3A_174 = vector.shape_cast %get3A_173 : vector<1x32x32xf32> to vector<32x32xf32>
      %dot_general3A_175 = arith.constant dense<0.000000e+00> : vector<20x32xf32>
      %dot_general3A_176 = tpu.matmul %get3A_169, %get3A_174, %dot_general3A_175 {dimension_numbers = #tpu.dot_dimension_numbers<[1], [1], [0], [0], [0, 0, 1, 0], [], []>, transpose_lhs_hint = false} : vector<20x32xf32>, vector<32x32xf32>, vector<20x32xf32> -> vector<20x32xf32>
      %mul3A_177 = arith.constant -2.000000e+00 : f32
      %mul3A_178 = vector.broadcast %mul3A_177 : f32 to vector<20x32xf32>
      %mul3A_179 = arith.mulf %mul3A_178, %dot_general3A_176 : vector<20x32xf32>
      %swap3A_180 = arith.constant 160 : index
      %swap3A_181 = arith.constant 0 : index
      %swap3A_182 = vector.load %arg5[%swap3A_180, %swap3A_181] : memref<320x32xf32, #tpu.memory_space<vmem>>, vector<20x32xf32>
      tpu.vector_store %arg5[%swap3A_180, %swap3A_181], %mul3A_179 {strides = array<i32>} : memref<320x32xf32, #tpu.memory_space<vmem>>, vector<20x32xf32>,
      %get3A_183 = arith.constant 180 : index
      %get3A_184 = arith.constant 0 : index
      %get3A_185 = vector.load %arg1[%get3A_183, %get3A_184] : memref<320x32xf32, #tpu.memory_space<vmem>>, vector<20x32xf32>
      %get3A_186 = arith.constant 9 : index
      %get3A_187 = arith.constant 0 : index
      %get3A_188 = arith.constant 0 : index
      %get3A_189 = vector.load %arg2[%get3A_186, %get3A_187, %get3A_188] : memref<16x32x32xf32, #tpu.memory_space<vmem>>, vector<1x32x32xf32>
      %get3A_190 = vector.shape_cast %get3A_189 : vector<1x32x32xf32> to vector<32x32xf32>
      %dot_general3A_191 = arith.constant dense<0.000000e+00> : vector<20x32xf32>
      %dot_general3A_192 = tpu.matmul %get3A_185, %get3A_190, %dot_general3A_191 {dimension_numbers = #tpu.dot_dimension_numbers<[1], [1], [0], [0], [0, 0, 1, 0], [], []>, transpose_lhs_hint = false} : vector<20x32xf32>, vector<32x32xf32>, vector<20x32xf32> -> vector<20x32xf32>
      %mul3A_193 = arith.constant -2.000000e+00 : f32
      %mul3A_194 = vector.broadcast %mul3A_193 : f32 to vector<20x32xf32>
      %mul3A_195 = arith.mulf %mul3A_194, %dot_general3A_192 : vector<20x32xf32>
      %swap3A_196 = arith.constant 180 : index
      %swap3A_197 = arith.constant 0 : index
      %swap3A_198 = vector.load %arg5[%swap3A_196, %swap3A_197] : memref<320x32xf32, #tpu.memory_space<vmem>>, vector<20x32xf32>
      tpu.vector_store %arg5[%swap3A_196, %swap3A_197], %mul3A_195 {strides = array<i32>} : memref<320x32xf32, #tpu.memory_space<vmem>>, vector<20x32xf32>,
      %get3A_199 = arith.constant 200 : index
      %get3A_200 = arith.constant 0 : index
      %get3A_201 = vector.load %arg1[%get3A_199, %get3A_200] : memref<320x32xf32, #tpu.memory_space<vmem>>, vector<20x32xf32>
      %get3A_202 = arith.constant 10 : index
      %get3A_203 = arith.constant 0 : index
      %get3A_204 = arith.constant 0 : index
      %get3A_205 = vector.load %arg2[%get3A_202, %get3A_203, %get3A_204] : memref<16x32x32xf32, #tpu.memory_space<vmem>>, vector<1x32x32xf32>
      %get3A_206 = vector.shape_cast %get3A_205 : vector<1x32x32xf32> to vector<32x32xf32>
      %dot_general3A_207 = arith.constant dense<0.000000e+00> : vector<20x32xf32>
      %dot_general3A_208 = tpu.matmul %get3A_201, %get3A_206, %dot_general3A_207 {dimension_numbers = #tpu.dot_dimension_numbers<[1], [1], [0], [0], [0, 0, 1, 0], [], []>, transpose_lhs_hint = false} : vector<20x32xf32>, vector<32x32xf32>, vector<20x32xf32> -> vector<20x32xf32>
      %mul3A_209 = arith.constant -2.000000e+00 : f32
      %mul3A_210 = vector.broadcast %mul3A_209 : f32 to vector<20x32xf32>
      %mul3A_211 = arith.mulf %mul3A_210, %dot_general3A_208 : vector<20x32xf32>
      %swap3A_212 = arith.constant 200 : index
      %swap3A_213 = arith.constant 0 : index
      %swap3A_214 = vector.load %arg5[%swap3A_212, %swap3A_213] : memref<320x32xf32, #tpu.memory_space<vmem>>, vector<20x32xf32>
      tpu.vector_store %arg5[%swap3A_212, %swap3A_213], %mul3A_211 {strides = array<i32>} : memref<320x32xf32, #tpu.memory_space<vmem>>, vector<20x32xf32>,
      %get3A_215 = arith.constant 220 : index
      %get3A_216 = arith.constant 0 : index
      %get3A_217 = vector.load %arg1[%get3A_215, %get3A_216] : memref<320x32xf32, #tpu.memory_space<vmem>>, vector<20x32xf32>
      %get3A_218 = arith.constant 11 : index
      %get3A_219 = arith.constant 0 : index
      %get3A_220 = arith.constant 0 : index
      %get3A_221 = vector.load %arg2[%get3A_218, %get3A_219, %get3A_220] : memref<16x32x32xf32, #tpu.memory_space<vmem>>, vector<1x32x32xf32>
      %get3A_222 = vector.shape_cast %get3A_221 : vector<1x32x32xf32> to vector<32x32xf32>
      %dot_general3A_223 = arith.constant dense<0.000000e+00> : vector<20x32xf32>
      %dot_general3A_224 = tpu.matmul %get3A_217, %get3A_222, %dot_general3A_223 {dimension_numbers = #tpu.dot_dimension_numbers<[1], [1], [0], [0], [0, 0, 1, 0], [], []>, transpose_lhs_hint = false} : vector<20x32xf32>, vector<32x32xf32>, vector<20x32xf32> -> vector<20x32xf32>
      %mul3A_225 = arith.constant -2.000000e+00 : f32
      %mul3A_226 = vector.broadcast %mul3A_225 : f32 to vector<20x32xf32>
      %mul3A_227 = arith.mulf %mul3A_226, %dot_general3A_224 : vector<20x32xf32>
      %swap3A_228 = arith.constant 220 : index
      %swap3A_229 = arith.constant 0 : index
      %swap3A_230 = vector.load %arg5[%swap3A_228, %swap3A_229] : memref<320x32xf32, #tpu.memory_space<vmem>>, vector<20x32xf32>
      tpu.vector_store %arg5[%swap3A_228, %swap3A_229], %mul3A_227 {strides = array<i32>} : memref<320x32xf32, #tpu.memory_space<vmem>>, vector<20x32xf32>,
      %get3A_231 = arith.constant 240 : index
      %get3A_232 = arith.constant 0 : index
      %get3A_233 = vector.load %arg1[%get3A_231, %get3A_232] : memref<320x32xf32, #tpu.memory_space<vmem>>, vector<20x32xf32>
      %get3A_234 = arith.constant 12 : index
      %get3A_235 = arith.constant 0 : index
      %get3A_236 = arith.constant 0 : index
      %get3A_237 = vector.load %arg2[%get3A_234, %get3A_235, %get3A_236] : memref<16x32x32xf32, #tpu.memory_space<vmem>>, vector<1x32x32xf32>
      %get3A_238 = vector.shape_cast %get3A_237 : vector<1x32x32xf32> to vector<32x32xf32>
      %dot_general3A_239 = arith.constant dense<0.000000e+00> : vector<20x32xf32>
      %dot_general3A_240 = tpu.matmul %get3A_233, %get3A_238, %dot_general3A_239 {dimension_numbers = #tpu.dot_dimension_numbers<[1], [1], [0], [0], [0, 0, 1, 0], [], []>, transpose_lhs_hint = false} : vector<20x32xf32>, vector<32x32xf32>, vector<20x32xf32> -> vector<20x32xf32>
      %mul3A_241 = arith.constant -2.000000e+00 : f32
      %mul3A_242 = vector.broadcast %mul3A_241 : f32 to vector<20x32xf32>
      %mul3A_243 = arith.mulf %mul3A_242, %dot_general3A_240 : vector<20x32xf32>
      %swap3A_244 = arith.constant 240 : index
      %swap3A_245 = arith.constant 0 : index
      %swap3A_246 = vector.load %arg5[%swap3A_244, %swap3A_245] : memref<320x32xf32, #tpu.memory_space<vmem>>, vector<20x32xf32>
      tpu.vector_store %arg5[%swap3A_244, %swap3A_245], %mul3A_243 {strides = array<i32>} : memref<320x32xf32, #tpu.memory_space<vmem>>, vector<20x32xf32>,
      %get3A_247 = arith.constant 260 : index
      %get3A_248 = arith.constant 0 : index
      %get3A_249 = vector.load %arg1[%get3A_247, %get3A_248] : memref<320x32xf32, #tpu.memory_space<vmem>>, vector<20x32xf32>
      %get3A_250 = arith.constant 13 : index
      %get3A_251 = arith.constant 0 : index
      %get3A_252 = arith.constant 0 : index
      %get3A_253 = vector.load %arg2[%get3A_250, %get3A_251, %get3A_252] : memref<16x32x32xf32, #tpu.memory_space<vmem>>, vector<1x32x32xf32>
      %get3A_254 = vector.shape_cast %get3A_253 : vector<1x32x32xf32> to vector<32x32xf32>
      %dot_general3A_255 = arith.constant dense<0.000000e+00> : vector<20x32xf32>
      %dot_general3A_256 = tpu.matmul %get3A_249, %get3A_254, %dot_general3A_255 {dimension_numbers = #tpu.dot_dimension_numbers<[1], [1], [0], [0], [0, 0, 1, 0], [], []>, transpose_lhs_hint = false} : vector<20x32xf32>, vector<32x32xf32>, vector<20x32xf32> -> vector<20x32xf32>
      %mul3A_257 = arith.constant -2.000000e+00 : f32
      %mul3A_258 = vector.broadcast %mul3A_257 : f32 to vector<20x32xf32>
      %mul3A_259 = arith.mulf %mul3A_258, %dot_general3A_256 : vector<20x32xf32>
      %swap3A_260 = arith.constant 260 : index
      %swap3A_261 = arith.constant 0 : index
      %swap3A_262 = vector.load %arg5[%swap3A_260, %swap3A_261] : memref<320x32xf32, #tpu.memory_space<vmem>>, vector<20x32xf32>
      tpu.vector_store %arg5[%swap3A_260, %swap3A_261], %mul3A_259 {strides = array<i32>} : memref<320x32xf32, #tpu.memory_space<vmem>>, vector<20x32xf32>,
      %get3A_263 = arith.constant 280 : index
      %get3A_264 = arith.constant 0 : index
      %get3A_265 = vector.load %arg1[%get3A_263, %get3A_264] : memref<320x32xf32, #tpu.memory_space<vmem>>, vector<20x32xf32>
      %get3A_266 = arith.constant 14 : index
      %get3A_267 = arith.constant 0 : index
      %get3A_268 = arith.constant 0 : index
      %get3A_269 = vector.load %arg2[%get3A_266, %get3A_267, %get3A_268] : memref<16x32x32xf32, #tpu.memory_space<vmem>>, vector<1x32x32xf32>
      %get3A_270 = vector.shape_cast %get3A_269 : vector<1x32x32xf32> to vector<32x32xf32>
      %dot_general3A_271 = arith.constant dense<0.000000e+00> : vector<20x32xf32>
      %dot_general3A_272 = tpu.matmul %get3A_265, %get3A_270, %dot_general3A_271 {dimension_numbers = #tpu.dot_dimension_numbers<[1], [1], [0], [0], [0, 0, 1, 0], [], []>, transpose_lhs_hint = false} : vector<20x32xf32>, vector<32x32xf32>, vector<20x32xf32> -> vector<20x32xf32>
      %mul3A_273 = arith.constant -2.000000e+00 : f32
      %mul3A_274 = vector.broadcast %mul3A_273 : f32 to vector<20x32xf32>
      %mul3A_275 = arith.mulf %mul3A_274, %dot_general3A_272 : vector<20x32xf32>
      %swap3A_276 = arith.constant 280 : index
      %swap3A_277 = arith.constant 0 : index
      %swap3A_278 = vector.load %arg5[%swap3A_276, %swap3A_277] : memref<320x32xf32, #tpu.memory_space<vmem>>, vector<20x32xf32>
      tpu.vector_store %arg5[%swap3A_276, %swap3A_277], %mul3A_275 {strides = array<i32>} : memref<320x32xf32, #tpu.memory_space<vmem>>, vector<20x32xf32>,
      %get3A_279 = arith.constant 300 : index
      %get3A_280 = arith.constant 0 : index
      %get3A_281 = vector.load %arg1[%get3A_279, %get3A_280] : memref<320x32xf32, #tpu.memory_space<vmem>>, vector<20x32xf32>
      %get3A_282 = arith.constant 15 : index
      %get3A_283 = arith.constant 0 : index
      %get3A_284 = arith.constant 0 : index
      %get3A_285 = vector.load %arg2[%get3A_282, %get3A_283, %get3A_284] : memref<16x32x32xf32, #tpu.memory_space<vmem>>, vector<1x32x32xf32>
      %get3A_286 = vector.shape_cast %get3A_285 : vector<1x32x32xf32> to vector<32x32xf32>
      %dot_general3A_287 = arith.constant dense<0.000000e+00> : vector<20x32xf32>
      %dot_general3A_288 = tpu.matmul %get3A_281, %get3A_286, %dot_general3A_287 {dimension_numbers = #tpu.dot_dimension_numbers<[1], [1], [0], [0], [0, 0, 1, 0], [], []>, transpose_lhs_hint = false} : vector<20x32xf32>, vector<32x32xf32>, vector<20x32xf32> -> vector<20x32xf32>
      %mul3A_289 = arith.constant -2.000000e+00 : f32
      %mul3A_290 = vector.broadcast %mul3A_289 : f32 to vector<20x32xf32>
      %mul3A_291 = arith.mulf %mul3A_290, %dot_general3A_288 : vector<20x32xf32>
      %swap3A_292 = arith.constant 300 : index
      %swap3A_293 = arith.constant 0 : index
      %swap3A_294 = vector.load %arg5[%swap3A_292, %swap3A_293] : memref<320x32xf32, #tpu.memory_space<vmem>>, vector<20x32xf32>
      tpu.vector_store %arg5[%swap3A_292, %swap3A_293], %mul3A_291 {strides = array<i32>} : memref<320x32xf32, #tpu.memory_space<vmem>>, vector<20x32xf32>,
      %broadcast_in_dim3A_295 = arith.constant 0x7F800000 : f32
      %broadcast_in_dim3A_296 = vector.broadcast %broadcast_in_dim3A_295 : f32 to vector<1x320xf32>
      %swap3A_297 = arith.constant 0 : index
      %swap3A_298 = arith.constant 0 : index
      %swap3A_299 = vector.load %arg6[%swap3A_297, %swap3A_298] : memref<1x320xf32, #tpu.memory_space<vmem>>, vector<1x320xf32>
      tpu.vector_store %arg6[%swap3A_297, %swap3A_298], %broadcast_in_dim3A_296 {strides = array<i32>} : memref<1x320xf32, #tpu.memory_space<vmem>>, vector<1x320xf32>,
      %broadcast_in_dim3A_300 = arith.constant 0.000000e+00 : f32
      %broadcast_in_dim3A_301 = vector.broadcast %broadcast_in_dim3A_300 : f32 to vector<1x320xf32>
      %swap3A_302 = arith.constant 0 : index
      %swap3A_303 = arith.constant 0 : index
      %swap3A_304 = vector.load %arg7[%swap3A_302, %swap3A_303] : memref<1x320xf32, #tpu.memory_space<vmem>>, vector<1x320xf32>
      tpu.vector_store %arg7[%swap3A_302, %swap3A_303], %broadcast_in_dim3A_301 {strides = array<i32>} : memref<1x320xf32, #tpu.memory_space<vmem>>, vector<1x320xf32>,
    } else {
    }
    %get3A = arith.constant 0 : index
    %get3A_2 = arith.constant 0 : index
    %get3A_3 = vector.load %arg3[%get3A, %get3A_2] : memref<10000x32xf32, #tpu.memory_space<vmem>>, vector<10000x32xf32>
    %get3A_4 = arith.constant 0 : index
    %get3A_5 = arith.constant 0 : index
    %get3A_6 = vector.load %arg5[%get3A_4, %get3A_5] : memref<320x32xf32, #tpu.memory_space<vmem>>, vector<320x32xf32>
    %dot_general3A = arith.constant dense<0.000000e+00> : vector<10000x320xf32>
    %dot_general3A_7 = tpu.matmul %get3A_3, %get3A_6, %dot_general3A {dimension_numbers = #tpu.dot_dimension_numbers<[1], [1], [0], [0], [0, 0, 1, 0], [], []>, transpose_lhs_hint = false} : vector<10000x32xf32>, vector<320x32xf32>, vector<10000x320xf32> -> vector<10000x320xf32>
    %mul3A = arith.mulf %get3A_3, %get3A_3 : vector<10000x32xf32>
    %reduce_sum3A = arith.constant dense<0.000000e+00> : vector<10000xf32>
    %reduce_sum3A_8 = vector.multi_reduction <add>, %mul3A, %reduce_sum3A [1] : vector<10000x32xf32> to vector<10000xf32>
    %broadcast_in_dim3A = vector.shape_cast %reduce_sum3A_8 : vector<10000xf32> to vector<10000x1xf32>
    %add3A = vector.broadcast %broadcast_in_dim3A : vector<10000x1xf32> to vector<10000x320xf32>
    %add3A_9 = arith.addf %dot_general3A_7, %add3A : vector<10000x320xf32>
    %reduce_min3A = arith.constant dense<0x7F800000> : vector<320xf32>
    %reduce_min3A_10 = vector.multi_reduction <minimumf>, %add3A_9, %reduce_min3A [0] : vector<10000x320xf32> to vector<320xf32>
    %broadcast_in_dim3A_11 = vector.shape_cast %reduce_min3A_10 : vector<320xf32> to vector<1x320xf32>
    %argmin3A = tpu.reduce_index %add3A_9 {axis = 0 : i32, kind = #tpu.reduction_kind<arg_min>} : vector<10000x320xf32> -> vector<320xi32>
    %convert_element_type3A_12 = arith.sitofp %argmin3A : vector<320xi32> to vector<320xf32>
    %broadcast_in_dim3A_13 = vector.shape_cast %convert_element_type3A_12 : vector<320xf32> to vector<1x320xf32>
    %mul3A_14 = arith.constant 10000 : i32
    %mul3A_15 = arith.muli %arg0, %mul3A_14 : i32
    %convert_element_type3A_16 = arith.sitofp %mul3A_15 : i32 to f32
    %add3A_17 = vector.broadcast %convert_element_type3A_16 : f32 to vector<1x320xf32>
    %add3A_18 = arith.addf %broadcast_in_dim3A_13, %add3A_17 : vector<1x320xf32>
    %get3A_19 = arith.constant 0 : index
    %get3A_20 = arith.constant 0 : index
    %get3A_21 = vector.load %arg6[%get3A_19, %get3A_20] : memref<1x320xf32, #tpu.memory_space<vmem>>, vector<1x320xf32>
    %lt3A = arith.cmpf olt, %broadcast_in_dim3A_11, %get3A_21 : vector<1x320xf32>
    %get3A_22 = arith.constant 0 : index
    %get3A_23 = arith.constant 0 : index
    %get3A_24 = vector.load %arg7[%get3A_22, %get3A_23] : memref<1x320xf32, #tpu.memory_space<vmem>>, vector<1x320xf32>
    %select_n3A = arith.select %lt3A, %add3A_18, %get3A_24 : vector<1x320xi1>, vector<1x320xf32>
    %swap3A = arith.constant 0 : index
    %swap3A_25 = arith.constant 0 : index
    %swap3A_26 = vector.load %arg7[%swap3A, %swap3A_25] : memref<1x320xf32, #tpu.memory_space<vmem>>, vector<1x320xf32>
    tpu.vector_store %arg7[%swap3A, %swap3A_25], %select_n3A {strides = array<i32>} : memref<1x320xf32, #tpu.memory_space<vmem>>, vector<1x320xf32>,
    %get3A_27 = arith.constant 0 : index
    %get3A_28 = arith.constant 0 : index
    %get3A_29 = vector.load %arg6[%get3A_27, %get3A_28] : memref<1x320xf32, #tpu.memory_space<vmem>>, vector<1x320xf32>
    %select_n3A_30 = arith.select %lt3A, %broadcast_in_dim3A_11, %get3A_29 : vector<1x320xi1>, vector<1x320xf32>
    %swap3A_31 = arith.constant 0 : index
    %swap3A_32 = arith.constant 0 : index
    %swap3A_33 = vector.load %arg6[%swap3A_31, %swap3A_32] : memref<1x320xf32, #tpu.memory_space<vmem>>, vector<1x320xf32>
    tpu.vector_store %arg6[%swap3A_31, %swap3A_32], %select_n3A_30 {strides = array<i32>} : memref<1x320xf32, #tpu.memory_space<vmem>>, vector<1x320xf32>,
    %eq3A_34 = arith.constant 9 : i32
    %eq3A_35 = arith.cmpi eq, %arg0, %eq3A_34 : i32
    %convert_element_type3A_36 = arith.extui %eq3A_35 : i1 to i32
    %cond3A_37 = arith.constant 0 : i32
    %cond3A_38 = arith.cmpi ne, %convert_element_type3A_36, %cond3A_37 : i32
    scf.if %cond3A_38 {
      %get3A_39 = arith.constant 0 : index
      %get3A_40 = arith.constant 0 : index
      %get3A_41 = vector.load %arg7[%get3A_39, %get3A_40] : memref<1x320xf32, #tpu.memory_space<vmem>>, vector<1x320xf32>
      %convert_element_type3A_42 = arith.fptosi %get3A_41 : vector<1x320xf32> to vector<1x320xi32>
      %swap3A_43 = arith.constant 0 : index
      %swap3A_44 = arith.constant 0 : index
      %swap3A_45 = vector.load %arg4[%swap3A_43, %swap3A_44] : memref<1x320xi32, #tpu.memory_space<vmem>>, vector<1x320xi32>
      tpu.vector_store %arg4[%swap3A_43, %swap3A_44], %convert_element_type3A_42 {strides = array<i32>} : memref<1x320xi32, #tpu.memory_space<vmem>>, vector<1x320xi32>,
    } else {
    }
    return
  }
  func.func @transform_0(%arg0: i32) -> (i32, i32) {
    %c0_i32 = arith.constant 0 : i32
    %c0_i32_0 = arith.constant 0 : i32
    %c0_i32_1 = arith.constant 0 : i32
    return %c0_i32, %c0_i32_0 : i32, i32
  }
  func.func @transform_1(%arg0: i32) -> (i32, i32, i32) {
    %c0_i32 = arith.constant 0 : i32
    %c0_i32_0 = arith.constant 0 : i32
    %c0_i32_1 = arith.constant 0 : i32
    %c0_i32_2 = arith.constant 0 : i32
    return %c0_i32, %c0_i32_0, %c0_i32_1 : i32, i32, i32
  }
  func.func @transform_2(%arg0: i32) -> (i32, i32) {
    %c0_i32 = arith.constant 0 : i32
    %c0_i32_0 = arith.constant 0 : i32
    return %arg0, %c0_i32 : i32, i32
  }
  func.func @transform_3(%arg0: i32) -> (i32, i32) {
    %c0_i32 = arith.constant 0 : i32
    %c0_i32_0 = arith.constant 0 : i32
    %c0_i32_1 = arith.constant 0 : i32
    return %c0_i32, %c0_i32_0 : i32, i32
  }
}

</mosaic_0001>

<sc_bundles>
// kernel: kernel.4.cloned.1.call-start
scs
__scs_entry_jumppad:
0x0: {  	(pc) =	sbr.rel $0x88, $3  }
0x1: {  	(tag) =	ssettag $0x0;
	lr =	simm.s32 $0x1  }
0x2: {  	[smem:$0x3F9D] =	sst lr;
	_ =	strace $0xD0000000  }
0x3: {  	_ = 	snop  }
0x4: {  	_ = 	snop  }
0x5: {  	_ = 	snop  }
0x6: {  	_ = 	snop  }
0x7: {  	_ = 	snop  }
__scs_overlays_trampoline_lowered:
0x8: {  	[smem:$0x3FAC] =	sst s0  }
0x9: {  	[smem:$0x3FAD] =	sst s1  }
0xa: {  	[smem:$0x3FAE] =	sst s2  }
0xb: {  	[smem:$0x3FAF] =	sst s3  }
0xc: {  	[smem:$0x3FB0] =	sst s4  }
0xd: {  	[smem:$0x3FB1] =	sst s5  }
0xe: {  	[smem:$0x3FB2] =	sst s6  }
0xf: {  	[smem:$0x3FB3] =	sst s7  }
0x10: {  	[smem:$0x3FB4] =	sst s8  }
0x11: {  	[smem:$0x3FB5] =	sst s9;
	s0 =	simm.s32 @!p0 $0x0  }
0x12: {  	s1 =	sld [smem:$0x3F9B];
	s0 =	simm.s32 @p0 $0x1  }
0x13: {  	[smem:$0x3FB6] =	sst s0;
	s0 =	simm.s32 @!p1 $0x0  }
0x14: {  	s2 =	sld [smem:$0x3F9A];
	s0 =	simm.s32 @p1 $0x1  }
0x15: {  	[smem:$0x3FB7] =	sst s0;
	s0 =	simm.s32 @!p2 $0x0  }
0x16: {  	s3 =	sld [smem:$0x3FDB];
	s0 =	simm.s32 @p2 $0x1  }
0x17: {  	s4 =	simm.s32 $0x1BF5;
	[smem:$0x3FB9] =	sst s0  }
0x18: {  	s0 =	sld [smem:$0x3F9C];
	_ =	swait.ge [sflag:s4], $0x0  }
0x19: {  	s7 =	sld [smem:$0x3F9D]  }
0x1a: {  	s8 =	sadd.s32 $0xFFFFE003, lr  }
0x1b: {  	s9 =	sadd.s32 $0xFFFFFEF7, lr;
	s5 =	simm.s32 $0xFFFFFFFF;
	p2 =	slt.u32 s8, $0xFFFFF086  }
0x1c: {  	p1 =	slt.u32 s9, $0xF7A;
	s5 =	simm.s32 @!p2 $0x0  }
0x1d: {  	s5 =	simm.s32 @p1 $0x1;
	p0 =	seq.s32 s7, s2  }
0x1e: {  	s7 =	smul.u32 @!p0 $0xF7A, s2;
	p2 =	seq.s32 @!p0 s5, $0x0  }
0x1f: {  	s9 =	smul.u32 $0xF7A, s1;
	s8 =	simm.s32 @!p0 $0x1BF5;
	p2 =	por !p2, p0  }
0x20: {  	[sflag:s8] =	ssyncset.s32 @!p0 $0xFFFFF086;
	s6 =	sadd.s32 @!p0 s3, s7;
	s7 =	simm.s32 @!p0 $0x108  }
0x21: {  	s3 =	sadd.s32 s3, s9;
	s6 =	sadd.s32 @!p0 $0x88, s6;
	s7 =	simm.s32 @p2 $0x1082  }
0x22: {  	[simem:s7], [sflag:s8] =	dma.local @!p0 [hbm:s6], $0xF7A  }
0x23: {  	s9 =	sor.u32 $0xD0000000, s2;
	s6 =	simm.s32 $0x108;
	_ =	swait.ge @!p0 [sflag:s8], $0x0  }
0x24: {  	s3 =	sadd.s32 $0x88, s3;
	s6 =	simm.s32 @!p1 $0x1082;
	[sflag:s4] =	ssyncset.s32 $0xFFFFF086  }
0x25: {  	[simem:s6], [sflag:s4] =	dma.local [hbm:s3], $0xF7A  }
0x26: {  	[smem:$0x3F9D] =	sst s1;
	(tag) =	ssettag s2;
	_ =	strace s9  }
0x27: {  	s1 =	sld [smem:$0x3FAD]  }
0x28: {  	s2 =	sld [smem:$0x3FAE]  }
0x29: {  	s4 =	sld [smem:$0x3FB0]  }
0x2a: {  	p0 =	seq.s32 s5, $0x0;
	s5 =	sld [smem:$0x3FB1]  }
0x2b: {  	s6 =	sld [smem:$0x3FB2]  }
0x2c: {  	s7 =	sld [smem:$0x3FB3]  }
0x2d: {  	s3 =	simm.s32 $0x108;
	s8 =	sld [smem:$0x3FB4]  }
0x2e: {  	s3 =	simm.s32 @!p0 $0x1082;
	s9 =	sld [smem:$0x3FB5]  }
0x2f: {  	lr =	sadd.s32 s0, s3;
	s0 =	sld [smem:$0x3FAC]  }
0x30: {  	s3 =	sld [smem:$0x3FAF]  }
0x31: {  	[smem:$0x3FB8] =	sst s10  }
0x32: {  	s10 =	sld [smem:$0x3FB6];
	_ =	sdelay $0x3  }
0x33: {  	p0 =	seq.s32 s10, $0x1;
	s10 =	sld [smem:$0x3FB8];
	_ =	sdelay $0x3  }
0x34: {  	[smem:$0x3FB8] =	sst s10  }
0x35: {  	s10 =	sld [smem:$0x3FB7];
	_ =	sdelay $0x3  }
0x36: {  	p1 =	seq.s32 s10, $0x1;
	s10 =	sld [smem:$0x3FB8];
	_ =	sdelay $0x3  }
0x37: {  	[smem:$0x3FB8] =	sst s10  }
0x38: {  	s10 =	sld [smem:$0x3FB9]  }
0x39: {  	_ = 	snop;
	(pc) =	sbr.ind lr, $3  }
0x3a: {  	_ = 	snop  }
0x3b: {  	_ = 	snop  }
0x3c: {  	p2 =	seq.s32 s10, $0x1;
	s10 =	sld [smem:$0x3FB8]  }
0x3d: {  	_ =	shalt  }
0x3e: {  	_ =	shalt  }
0x3f: {  	_ =	shalt  }
0x40: {  	_ =	shalt  }
0x41: {  	_ =	shalt  }
0x42: {  	_ =	shalt  }
0x43: {  	_ =	shalt  }
0x44: {  	_ =	shalt  }
0x45: {  	_ =	shalt  }
0x46: {  	_ =	shalt  }
0x47: {  	_ =	shalt  }
0x48: {  	_ =	shalt  }
0x49: {  	_ =	shalt  }
0x4a: {  	_ =	shalt  }
0x4b: {  	_ =	shalt  }
0x4c: {  	_ =	shalt  }
0x4d: {  	_ =	shalt  }
0x4e: {  	_ =	shalt  }
0x4f: {  	_ =	shalt  }
0x50: {  	_ =	shalt  }
0x51: {  	_ =	shalt  }
0x52: {  	_ =	shalt  }
0x53: {  	_ =	shalt  }
0x54: {  	_ =	shalt  }
0x55: {  	_ =	shalt  }
0x56: {  	_ =	shalt  }
0x57: {  	_ =	shalt  }
0x58: {  	_ =	shalt  }
0x59: {  	_ =	shalt  }
0x5a: {  	_ =	shalt  }
0x5b: {  	_ =	shalt  }
0x5c: {  	_ =	shalt  }
0x5d: {  	_ =	shalt  }
0x5e: {  	_ =	shalt  }
0x5f: {  	_ =	shalt  }
0x60: {  	_ =	shalt  }
0x61: {  	_ =	shalt  }
0x62: {  	_ =	shalt  }
0x63: {  	_ =	shalt  }
0x64: {  	_ =	shalt  }
0x65: {  	_ =	shalt  }
0x66: {  	_ =	shalt  }
0x67: {  	_ =	shalt  }
0x68: {  	_ =	shalt  }
0x69: {  	_ =	shalt  }
0x6a: {  	_ =	shalt  }
0x6b: {  	_ =	shalt  }
0x6c: {  	_ =	shalt  }
0x6d: {  	_ =	shalt  }
0x6e: {  	_ =	shalt  }
0x6f: {  	_ =	shalt  }
0x70: {  	_ =	shalt  }
0x71: {  	_ =	shalt  }
0x72: {  	_ =	shalt  }
0x73: {  	_ =	shalt  }
0x74: {  	_ =	shalt  }
0x75: {  	_ =	shalt  }
0x76: {  	_ =	shalt  }
0x77: {  	_ =	shalt  }
0x78: {  	_ =	shalt  }
0x79: {  	_ =	shalt  }
0x7a: {  	_ =	shalt  }
0x7b: {  	_ =	shalt  }
0x7c: {  	_ =	shalt  }
0x7d: {  	_ =	shalt  }
0x7e: {  	_ =	shalt  }
0x7f: {  	_ =	shalt  }
0x80: {  	_ =	shalt  }
0x81: {  	_ =	shalt  }
0x82: {  	_ =	shalt  }
0x83: {  	_ =	shalt  }
0x84: {  	_ =	shalt  }
0x85: {  	_ =	shalt  }
0x86: {  	_ =	shalt  }
0x87: {  	_ =	shalt  }
.Lfunc_end0:
.L_simem_size_0:
called_computation_lowered:
.L_overlay_start_0:
0x88: {  	s2 =	sld [smem:$0x3FD9]  }
0x89: {  	s3 =	sld [smem:$0x3FFE];
	_ =	sdelay $0x1  }
0x8a: {  	s1 =	srdreg.scid  }
0x8b: {  	s0 =	sand.u32 $0x1, s1  }
0x8c: {  	s17 =	sshll.u32 s0, $0xA;
	s2 =	sadd.s32 s3, s2  }
0x8d: {  	s2 =	sadd.s32 s2, s17  }
0x8e: {  	[smem:$0x3FC4] =	sst s2  }
0x8f: {  	_ = 	snop  }
0x90: {  	s2 =	sld [smem:$0x3FD0];
	(tm) =	ssettm $0x1  }
0x91: {  	s18 =	sld [smem:$0x3FFB];
	_ =	sdelay $0x3  }
0x92: {  	_ =	strace s18  }
0x93: {  	s3 =	sld [smem:$0x3FFC];
	_ =	sdelay $0x3  }
0x94: {  	_ =	strace s3  }
0x95: {  	s3 =	sld [smem:$0x3FFD];
	_ =	sdelay $0x3  }
0x96: {  	_ =	strace s3  }
0x97: {  	_ =	strace $0x8FFFFFFF  }
0x98: {  	s19 =	sld [smem:$0x3FDB];
	_ =	sdelay $0x1  }
0x99: {  	s4 =	simm.s32 $_scs_section_size  }
0x9a: {  	s5 =	simm.s32 $_size__tile_overlayer_lowered;
	s6 =	simm.s32 $_tile_overlayer_lowered  }
0x9b: {  	s22 =	simm.s32 $0x1BFF;
	s21 =	sshll.u32 s6, $0x1;
	s3 =	sadd.s32 s4, s19  }
0x9c: {  	s7 =	simm.s32 $0x0;
	s20 =	sshll.u32 s5, $0x1;
	s5 =	sadd.s32 s21, s3  }
0x9d: {  	[timem:s7], [sflag:s22] =	dma.local [hbm:s5], s20  }
0x9e: {  	_ =	swait.ge [sflag:s22], s20  }
0x9f: {  	s4 =	ssub.s32 $0x0, s20;
	[sflag:s22] =	ssyncset.done $0x0  }
0xa0: {  	[sflag:s22] =	ssyncadd.s32 s4;
	_ =	sdelay $0x1  }
0xa1: {  	s23 =	simm.s32 $0x1B8B  }
0xa2: {  	_ =	swait.ge [sflag:s23], $0x1  }
0xa3: {  	[sflag:s23] =	ssyncset.done $0x0  }
0xa4: {  	s25 =	simm.s32 $0x1B8E;
	s24 =	sld [smem:$0x3FFE];
	[sflag:s23] =	ssyncadd.s32 $0xFFFFFFFF  }
0xa5: {  	s26 =	simm.s32 $execute0_lowered;
	[smem:$0x3FD2] =	sst s25  }
0xa6: {  	s5 =	sshll.u32 s26, $0x1;
	_ =	strace $0x80000046;
	[dreg:$0x1] =	wrdreg $0xFFFFFFFF  }
0xa7: {  	s28 =	simm.s32 $_size_execute0_lowered;
	s3 =	sadd.s32 s3, s5;
	[dreg:$0x0] =	wrdreg $0x0  }
0xa8: {  	s5 =	sshll.u32 s28, $0x1;
	[dreg:$0x2] =	wrdreg s3  }
0xa9: {  	[dreg:$0x3] =	wrdreg s5  }
0xaa: {  	[dreg:$0x4] =	wrdreg $0xC0  }
0xab: {  	_ =	task [dreg:s7], $0x5FFFF  }
0xac: {  	[dreg:$0x1] =	wrdreg $0xFFFFFFFF  }
0xad: {  	[dreg:$0x0] =	wrdreg $0x60  }
0xae: {  	[dreg:$0x2] =	wrdreg s24  }
0xaf: {  	[dreg:$0x3] =	wrdreg s2  }
0xb0: {  	[dreg:$0x4] =	wrdreg $0x9  }
0xb1: {  	_ =	task.clear_ibuf [dreg:s7], $0x5FFFF;
	_ =	strace $0x90000046  }
0xb2: {  	s29 =	simm.s32 $0x9;
	_ =	strace $0x80000048  }
0xb3: {  	_ =	swait.ge [sflag:s29], $0x1  }
0xb4: {  	[sflag:s29] =	ssyncadd.s32 $0xFFFFFFFF  }
0xb5: {  	_ =	strace $0x90000048  }
0xb6: {  	_ =	sfence  }
0xb7: {  	s30 =	sld [smem:$0x0];
	_ =	sdelay $0x2  }
0xb8: {  	s31 =	sshll.u32 s1, $0xD;
	s1 =	sshrl.u32 s1, $0x2  }
0xb9: {  	s3 =	sand.u32 $0x4000, s31;
	s1 =	sadd.s32 s1, s30  }
0xba: {  	s0 =	sor.u32 s3, s0;
	s1 =	sshll.u32 s1, $0x11  }
0xbb: {  	s0 =	sor.u32 s1, s0  }
0xbc: {  	s0 =	sadd.s32 $0x8F2B, s0  }
0xbd: {  	[sflag:s0] =	ssyncadd.remote.s32 $0x1  }
0xbe: {  	_ =	sfence.sel $0xFFFF  }
0xbf: {  	[dreg:$0x0] =	wrdreg $0xFFFFFFFF;
	(pc) =	sbr.abs _section_cstart, $3  }
0xc0: {  	[dreg:$0x1] =	wrdreg $0xFFFFFFFF  }
0xc1: {  	_ =	task.clear_ibuf [dreg:s7], $0x2FFFF;
	_ =	strace $0x9FFFFFFF  }
0xc2: {  	(tm) =	ssettm $0x7FFFFFFF  }
0xc3: {  	_ =	shalt  }
tec
execute0_lowered:
.L_overlay_start_1:
0x0: {  	(tag) =	ssettag $0x1  }
0x1: {  	s1 =	srdreg.scid;
	s2 =	rddreg [dreg:$0x0]  }
0x2: {  	s0 =	stileid.u32;
	s4 =	rddreg [dreg:$0x1];
	s6 =	sand.u32 $0x1, s1  }
0x3: {  	s3 =	simm.s32 $0x0;
	s5 =	sshll.u32 s0, $0x5;
	s7 =	sshll.u32 s6, $0x4  }
0x4: {  	[smem:$0x7FF] =	sst s3;
	s8 =	sor.u32 s7, s5  }
0x5: {  	s1 =	rddreg [dreg:$0x2];
	_ =	strace $0x80000047;
	s5 =	sshrl.u32 s8, $0x3  }
0x6: {  	s9 =	ssub.s32 $0x2, s6;
	s5 =	sadd.s32 s4, s5;
	s4 =	simm.s32 $0x2  }
0x7: {  	[tilespmem:s3], [sflag:$0x2] =	stream.linear.gather [hbm4b:s5+s3], $0x10, $0x38;
	[tilespmem:$0x210] =	vst v63  }
0x8: {  	s10 =	sshrl.u32 s9, $0x1;
	_ =	swait.ge [sflag:s4], $0x10  }
0x9: {  	s6 =	simm.s32 $0x10;
	s9 =	ssub.s32 s9, s10;
	[sflag:s4] =	ssyncset.done $0x0  }
0xa: {  	s7 =	simm.s32 $0x1;
	s9 =	smax.u32 s9, $0x1;
	[sflag:s4] =	ssyncadd.s32 $0xFFFFFFF0  }
0xb: {  	[tilespmem:s6], [sflag:$0x1] =	stream.indirect.gather [hbm4b:s2+s6], $0x20, s3, s6, $0xb8;
	[tilespmem:$0x210] =	vst v63  }
0xc: {  	s8 =	sshll.u32 s8, $0x2;
	p0 =	sne.s32 s9, $0x1;
	_ =	swait.ge [sflag:s7], $0x200  }
.Ltmp0:
0xd: {  	s8 =	sadd.s32 s8, s2;
	[sflag:s7] =	ssyncset.done $0x0;
	(pc) =	sbr.rel @!p0 .LBB2_2-.Ltmp0, $4  }
0xe: {  	s8 =	sadd.s32 $0x400, s8;
	[sflag:s7] =	ssyncadd.s32 $0xFFFFFE00  }
0xf: {  	[hbm4b:s8+s3] =	stream.linear.scatter [tilespmem:s6], [sflag:$0x2], $0x200, $0x38;
	[tilespmem:$0x210] =	vst v63  }
0x10: {  	_ =	swait.ge [sflag:s4], $0x200  }
0x11: {  	s9 =	sadd.s32 $0xFFFFFFFF, s9;
	[sflag:s4] =	ssyncset.done $0x0  }
.LBB2_1:
0x12: {  	p0 =	sne.s32 s9, $0x1;
	s9 =	sadd.s32 $0xFFFFFFFF, s9;
	[sflag:s4] =	ssyncadd.s32 $0xFFFFFE00  }
0x13: {  	[tilespmem:s3], [sflag:$0x2] =	stream.linear.gather [hbm4b:s5+s3], $0x10, $0x38;
	[tilespmem:$0x210] =	vst v63  }
0x14: {  	_ =	swait.ge [sflag:s4], $0x10  }
0x15: {  	[sflag:s4] =	ssyncset.done $0x0  }
0x16: {  	[sflag:s4] =	ssyncadd.s32 $0xFFFFFFF0  }
0x17: {  	[tilespmem:s6], [sflag:$0x1] =	stream.indirect.gather [hbm4b:s2+s6], $0x20, s3, s6, $0xb8;
	[tilespmem:$0x210] =	vst v63  }
0x18: {  	_ =	swait.ge [sflag:s7], $0x200  }
.Ltmp1:
0x19: {  	[sflag:s7] =	ssyncset.done $0x0;
	(pc) =	sbr.rel @p0 .LBB2_1-.Ltmp1, $4  }
0x1a: {  	[sflag:s7] =	ssyncadd.s32 $0xFFFFFE00  }
0x1b: {  	[hbm4b:s8+s3] =	stream.linear.scatter [tilespmem:s6], [sflag:$0x2], $0x200, $0x38;
	[tilespmem:$0x210] =	vst v63  }
0x1c: {  	_ =	swait.ge [sflag:s4], $0x200  }
0x1d: {  	[sflag:s4] =	ssyncset.done $0x0  }
.LBB2_2:
0x1e: {  	[sflag:s4] =	ssyncadd.s32 $0xFFFFFE00  }
0x1f: {  	_ =	sfence.sel $0x180000  }
0x20: {  	[bflag:$0x0] =	sbarrier.arrive $0xFFFF  }
0x21: {  	p0 =	sne.s32 s0, $0x0;
	_ =	strace $0x90000047  }
0x22: {  	s0 =	sadd.s32 @!p0 $0x100000, s1;
	[bflag:$0x2] =	sbarrier.arrive $0xFFFF  }
0x23: {  	[sflag:s0] =	ssyncadd.tile.s32 @!p0 $0x1;
	_ =	shalt  }
.Lfunc_end2:
_tile_overlayer_lowered:
.L_overlay_start_2:
0x24: {  	(tag) =	ssettag $0x2  }
0x25: {  	s0 =	rddreg [dreg:$0x0];
	s2 =	stileid.u32  }
0x26: {  	s1 =	rddreg [dreg:$0x1];
	p0 =	sne.s32 s2, $0x0  }
0x27: {  	s3 =	rddreg [dreg:$0x2];
	[bflag:$0x3] =	sbarrier.arrive $0xFFFF;
	s2 =	simm.s32 @!p0 $0x1C02  }
0x28: {  	[timem:s3], [sflag:s2] =	dma.local @!p0 [hbm:s0], s1  }
0x29: {  	s0 =	simm.s32 @!p0 $0x2  }
0x2a: {  	_ =	swait.ge @!p0 [sflag:s0], s1  }
0x2b: {  	s1 =	ssub.s32 @!p0 $0x0, s1;
	[sflag:s0] =	ssyncset.done @!p0 $0x0  }
0x2c: {  	[sflag:s0] =	ssyncadd.s32 @!p0 s1  }
0x2d: {  	[bflag:$0x3] =	sbarrier.arrive $0xFFFF  }
0x2e: {  	_ =	shalt  }

</sc_bundles>
